<compile_context>
chip_gen: v7x
topology: tpu7x:2x2x1
jax: 0.10.2.dev20260603
libtpu: 0.0.44.dev20260713+nightly
codegen_flags: <defaults>
</compile_context>

<pallas_src>
import functools

import jax
import jax.numpy as jnp
from jax import lax
from jax.experimental import pallas as pl
from jax.experimental.pallas import tpu as pltpu
from jax.experimental.pallas import tpu_sc as plsc

N = 10000
E = 320000
D = 128
EPS = 1e-5

NC = 2
NS = 16
NW = NC * NS
CHUNK = 80
EPW = E // NW
CPW = EPW // CHUNK
NPAD = 10240
RPT = NPAD // NS
ZROWS = RPT // 5

_mesh = plsc.VectorSubcoreMesh(core_axis_name="c", subcore_axis_name="s")




def _deg_body(dst_hbm, degp_hbm, didx, ones, zbuf, degs, gsem, ssem):
    c = lax.axis_index("c")
    s = lax.axis_index("s")
    wid = c * NS + s

    zero_row = jnp.full((16,), 0.0, jnp.float32)
    one_row = jnp.full((16,), 1.0, jnp.float32)

    def init_ones(r, _):
        for k in range(D // 16):
            ones[r, pl.ds(k * 16, 16)] = one_row
        return 0

    lax.fori_loop(0, CHUNK, init_ones, 0)

    def init_zeros(r, _):
        for k in range(D // 16):
            zbuf[r, pl.ds(k * 16, 16)] = zero_row
        return 0

    lax.fori_loop(0, ZROWS, init_zeros, 0)
    pltpu.async_copy(dst_hbm.at[wid], didx, gsem)
    for t in range(5):
        pltpu.async_copy(zbuf, degs.at[pl.ds(s * RPT + t * ZROWS, ZROWS)],
                         ssem)
    pltpu.make_async_copy(dst_hbm.at[wid], didx, gsem).wait()
    for t in range(5):
        pltpu.make_async_copy(
            zbuf, degs.at[pl.ds(s * RPT + t * ZROWS, ZROWS)], ssem).wait()
    plsc.subcore_barrier()

    def body(jj, _):
        for b in range(5):
            j = jj * 5 + b
            pltpu.async_copy(ones, degs.at[didx.at[j]], ssem, add=True)
        for b in range(5):
            pltpu.make_async_copy(ones, degs.at[didx.at[0]], ssem).wait()
        return 0

    lax.fori_loop(0, CPW // 5, body, 0)
    plsc.subcore_barrier()

    pltpu.sync_copy(degs.at[pl.ds(s * RPT, RPT)],
                    degp_hbm.at[c, pl.ds(s * RPT, RPT)])


@functools.partial(jax.jit)
def _deg_kernel(dst):
    dst3 = dst.reshape(NW, CPW, CHUNK)
    return pl.kernel(
        _deg_body,
        out_type=jax.ShapeDtypeStruct((NC, NPAD, D), jnp.float32),
        mesh=_mesh,
        scratch_types=[
            pltpu.VMEM((CPW, CHUNK), jnp.int32),
            pltpu.VMEM((CHUNK, D), jnp.float32),
            pltpu.VMEM((ZROWS, D), jnp.float32),
            pltpu.VMEM_SHARED((NPAD, D), jnp.float32),
            pltpu.SemaphoreType.DMA,
            pltpu.SemaphoreType.DMA,
        ],
    )(dst3)


def _edge_body(y_hbm, src_hbm, dst_hbm, accp_hbm,
               sbuf0, sbuf1, dbuf0, dbuf1, rows0, rows1, accs,
               gsem0, gsem1, ssem0, ssem1, isem0, isem1):
    c = lax.axis_index("c")
    s = lax.axis_index("s")
    wid = c * NS + s
    sbuf = (sbuf0, sbuf1)
    dbuf = (dbuf0, dbuf1)
    rows = (rows0, rows1)
    gsem = (gsem0, gsem1)
    ssem = (ssem0, ssem1)
    isem = (isem0, isem1)

    zero_row = jnp.full((16,), 0.0, jnp.float32)

    def init_zeros(r, _):
        for k in range(D // 16):
            rows0[r, pl.ds(k * 16, 16)] = zero_row
        return 0

    lax.fori_loop(0, CHUNK, init_zeros, 0)
    for t in range(8):
        pltpu.async_copy(rows0, accs.at[pl.ds(s * RPT + t * CHUNK, CHUNK)],
                         ssem0)
    for t in range(8):
        pltpu.make_async_copy(
            rows0, accs.at[pl.ds(s * RPT + t * CHUNK, CHUNK)], ssem0).wait()
    plsc.subcore_barrier()

    base = wid * EPW

    def idx_load(j, b, kk):
        pltpu.async_copy(src_hbm.at[pl.ds(base + j * CHUNK, CHUNK)],
                         sbuf[b].at[kk], isem[b])
        pltpu.async_copy(dst_hbm.at[pl.ds(base + j * CHUNK, CHUNK)],
                         dbuf[b].at[kk], isem[b])

    def idx_drain(b, kk):
        pltpu.make_async_copy(src_hbm.at[pl.ds(0, CHUNK)], sbuf[b].at[kk],
                              isem[b]).wait()
        pltpu.make_async_copy(dst_hbm.at[pl.ds(0, CHUNK)], dbuf[b].at[kk],
                              isem[b]).wait()

    def scat_drain(b):
        pltpu.make_async_copy(rows[b], accs.at[dbuf[b].at[0]],
                              ssem[b]).wait()

    idx_load(0, 0, 0)
    idx_load(1, 1, 0)

    def body(jj, _):
        kk = lax.rem(jj, 2)
        for b in range(2):
            j = 2 * jj + b

            @pl.when(j >= 2)
            def _():
                scat_drain(b)

            idx_drain(b, kk)

            @pl.when(j + 2 < CPW)
            def _():
                idx_load(j + 2, b, 1 - kk)

            pltpu.async_copy(y_hbm.at[sbuf[b].at[kk]], rows[b], gsem[b])
            pltpu.make_async_copy(y_hbm.at[pl.ds(0, CHUNK)], rows[b],
                                  gsem[b]).wait()
            pltpu.async_copy(rows[b], accs.at[dbuf[b].at[kk]], ssem[b],
                             add=True)
        return 0

    lax.fori_loop(0, CPW // 2, body, 0)

    kk_l = (CPW // 2) % 2
    scat_drain(0)
    idx_drain(0, kk_l)
    pltpu.async_copy(y_hbm.at[sbuf[0].at[kk_l]], rows0, gsem0)
    pltpu.make_async_copy(y_hbm.at[pl.ds(0, CHUNK)], rows0, gsem0).wait()
    pltpu.async_copy(rows0, accs.at[dbuf[0].at[kk_l]], ssem0, add=True)
    scat_drain(1)
    scat_drain(0)
    plsc.subcore_barrier()

    pltpu.sync_copy(accs.at[pl.ds(s * RPT, RPT)],
                    accp_hbm.at[c, pl.ds(s * RPT, RPT)])


@functools.partial(jax.jit)
def _edge_kernel(y, src, dst):
    return pl.kernel(
        _edge_body,
        out_type=jax.ShapeDtypeStruct((NC, NPAD, D), jnp.float32),
        mesh=_mesh,
        scratch_types=[
            pltpu.VMEM((2, CHUNK), jnp.int32),
            pltpu.VMEM((2, CHUNK), jnp.int32),
            pltpu.VMEM((2, CHUNK), jnp.int32),
            pltpu.VMEM((2, CHUNK), jnp.int32),
            pltpu.VMEM((CHUNK, D), jnp.float32),
            pltpu.VMEM((CHUNK, D), jnp.float32),
            pltpu.VMEM_SHARED((NPAD, D), jnp.float32),
            pltpu.SemaphoreType.DMA,
            pltpu.SemaphoreType.DMA,
            pltpu.SemaphoreType.DMA,
            pltpu.SemaphoreType.DMA,
            pltpu.SemaphoreType.DMA,
            pltpu.SemaphoreType.DMA,
        ],
    )(y, src, dst)




def _dinv_from(degp):
    deg = degp[0, :N, 0] + degp[1, :N, 0]
    return jnp.where(deg > 0, lax.rsqrt(jnp.where(deg > 0, deg, 1.0)),
                     0.0)[:, None]


def _pre_body(x_ref, w_ref, degp_ref, y_ref):
    dinv = _dinv_from(degp_ref[...])
    z = lax.dot_general(x_ref[...], w_ref[...], (((1,), (1,)), ((), ())),
                        preferred_element_type=jnp.float32)
    y_ref[...] = z * dinv


def _pre_kernel(x, w, degp):
    return pl.pallas_call(
        _pre_body,
        out_shape=jax.ShapeDtypeStruct((N, D), jnp.float32),
    )(x, w, degp)


def _bn(h, g, be):
    mu = jnp.mean(h, axis=0, keepdims=True)
    var = jnp.mean((h - mu) ** 2, axis=0, keepdims=True)
    return (h - mu) * lax.rsqrt(var + EPS) * g + be


def _mid_body(accp_ref, degp_ref, b_ref, g_ref, be_ref, w2_ref, y2_ref):
    dinv = _dinv_from(degp_ref[...])
    h = (accp_ref[0, :N] + accp_ref[1, :N]) * dinv + b_ref[...]
    hn = _bn(h, g_ref[...], be_ref[...])
    y2_ref[...] = lax.dot_general(hn, w2_ref[...], (((1,), (1,)), ((), ())),
                                  preferred_element_type=jnp.float32) * dinv


def _mid_kernel(accp, degp, b, g, be, w2):
    return pl.pallas_call(
        _mid_body,
        out_shape=jax.ShapeDtypeStruct((N, D), jnp.float32),
    )(accp, degp, b, g, be, w2)


def _post_body(accp_ref, degp_ref, b_ref, g_ref, be_ref, out_ref):
    dinv = _dinv_from(degp_ref[...])
    h = (accp_ref[0, :N] + accp_ref[1, :N]) * dinv + b_ref[...]
    out_ref[...] = _bn(h, g_ref[...], be_ref[...])


def _post_kernel(accp, degp, b, g, be):
    return pl.pallas_call(
        _post_body,
        out_shape=jax.ShapeDtypeStruct((N, D), jnp.float32),
    )(accp, degp, b, g, be)




def kernel(input_embedding_layer, edges_index, W1, b1, g1, be1, W2, b2, g2,
           be2):
    src = edges_index[0]
    dst = edges_index[1]
    b1r, g1r, be1r = b1[None, :], g1[None, :], be1[None, :]
    b2r, g2r, be2r = b2[None, :], g2[None, :], be2[None, :]

    degp = _deg_kernel(dst)
    y1 = _pre_kernel(input_embedding_layer, W1, degp)
    acc1 = _edge_kernel(y1, src, dst)
    y2 = _mid_kernel(acc1, degp, b1r, g1r, be1r, W2)
    acc2 = _edge_kernel(y2, src, dst)
    return _post_kernel(acc2, degp, b2r, g2r, be2r)

# --- scband reference (transcript-rebuilt; emitter-appended) ---
"""Pipeline reference for scband-global-info-generate-33801392620062 (READ-ONLY COPY).

The authoritative reference and input builder live on the scoring server;
editing this copy changes nothing except your own understanding.
"""

import jax, jax.numpy as jnp
import numpy as np

N = 10000
E = 320000
D = 128
EPS = 1e-5


def setup_inputs(seed: int = 0) -> dict:
    key = jax.random.key(seed)
    ks = jax.random.split(key, 10)
    x = jax.random.normal(ks[0], (N, D), dtype=jnp.float32)
    edges_index = jax.random.randint(ks[1], (2, E), 0, N, dtype=jnp.int32)
    s = 1.0 / np.sqrt(D)
    W1 = jax.random.uniform(ks[2], (D, D), dtype=jnp.float32, minval=-s, maxval=s)
    b1 = jnp.zeros((D,), dtype=jnp.float32)
    g1 = jnp.ones((D,), dtype=jnp.float32)
    be1 = jnp.zeros((D,), dtype=jnp.float32)
    W2 = jax.random.uniform(ks[3], (D, D), dtype=jnp.float32, minval=-s, maxval=s)
    b2 = jnp.zeros((D,), dtype=jnp.float32)
    g2 = jnp.ones((D,), dtype=jnp.float32)
    be2 = jnp.zeros((D,), dtype=jnp.float32)
    return {"input_embedding_layer": x, "edges_index": edges_index,
            "W1": W1, "b1": b1, "g1": g1, "be1": be1,
            "W2": W2, "b2": b2, "g2": g2, "be2": be2}


def _gcn_conv(x, edges_index, W, b):
    # PyG GCNConv with add_self_loops=False, normalize=True
    src = edges_index[0]
    dst = edges_index[1]
    x = x @ W.T
    ones = jnp.ones((E,), dtype=x.dtype)
    deg = jnp.zeros((N,), dtype=x.dtype).at[dst].add(ones)
    deg_inv_sqrt = jnp.where(deg > 0, 1.0 / jnp.sqrt(jnp.where(deg > 0, deg, 1.0)), 0.0)
    norm = deg_inv_sqrt[src] * deg_inv_sqrt[dst]
    msg = jnp.take(x, src, axis=0) * norm[:, None]
    out = jnp.zeros_like(x).at[dst].add(msg)
    return out + b


def _batch_norm(x, g, be):
    mu = jnp.mean(x, axis=0)
    var = jnp.mean((x - mu) ** 2, axis=0)
    return (x - mu) / jnp.sqrt(var + EPS) * g + be


def reference(input_embedding_layer, edges_index, W1, b1, g1, be1, W2, b2, g2, be2):
    # layer 1 (dropout p=0.0 -> identity; residual=False; JK='last')
    h = _gcn_conv(input_embedding_layer, edges_index, W1, b1)
    h = _batch_norm(h, g1, be1)
    # layer 2
    h = _gcn_conv(h, edges_index, W2, b2)
    h = _batch_norm(h, g2, be2)
    return h

if __name__ == "__main__":
    import jax
    _d = setup_inputs()
    print(jax.jit(kernel)(*tuple(_d.values())))

</pallas_src>

<mosaic_0001>
#map = affine_map<(d0, d1) -> (0, 0, 0)>
module attributes {stable_mosaic.version = 14 : i64} {
  func.func @_deg_body(%arg0: i32, %arg1: i32, %arg2: memref<32x125x80xi32, #tpu.memory_space<hbm>>, %arg3: memref<2x10240x128xf32, #tpu.memory_space<hbm>>, %arg4: memref<125x80xi32, #tpu.memory_space<vmem>>, %arg5: memref<80x128xf32, #tpu.memory_space<vmem>>, %arg6: memref<128x128xf32, #tpu.memory_space<vmem>>, %arg7: memref<10240x128xf32, #tpu.memory_space<vmem_shared>>, %arg8: memref<!tpu.dma_semaphore, #tpu.memory_space<semaphore_mem>>, %arg9: memref<!tpu.dma_semaphore, #tpu.memory_space<semaphore_mem>>) attributes {dimension_semantics = [#tpu.dimension_semantics<core_parallel>, #tpu.dimension_semantics<subcore_parallel>], iteration_bounds = array<i64: 2, 16>, scalar_prefetch = 0 : i64, scratch_operands = 6 : i64, tpu.core_type = #tpu.core_type<sc_vector_subcore>, window_params = [{transform_indices = #map}, {transform_indices = #map}]} {
    %mul3A = arith.constant 16 : i32
    %mul3A_0 = arith.muli %arg0, %mul3A : i32
    %add3A = arith.addi %mul3A_0, %arg1 : i32
    %broadcast_in_dim3A = arith.constant 0.000000e+00 : f32
    %broadcast_in_dim3A_1 = vector.broadcast %broadcast_in_dim3A : f32 to vector<16xf32>
    %broadcast_in_dim3A_2 = arith.constant 1.000000e+00 : f32
    %broadcast_in_dim3A_3 = vector.broadcast %broadcast_in_dim3A_2 : f32 to vector<16xf32>
    %scan3A = arith.constant 0 : i32
    %scan3A_4 = arith.constant 0 : i32
    %scan3A_5 = arith.constant 80 : i32
    %scan3A_6 = arith.addi %scan3A_4, %scan3A_5 : i32
    %scan3A_7 = arith.constant 1 : i32
    %scan3A_8 = scf.for %scan3A_123 = %scan3A_4 to %scan3A_6 step %scan3A_7 iter_args(%scan3A_124 = %scan3A) -> (i32)  : i32 {
      %swap3A = arith.index_cast %scan3A_123 : i32 to index
      %swap3A_125 = arith.constant 0 : index
      %swap3A_126 = tpu.vector_load %arg5[%swap3A, %swap3A_125] {strides = array<i32>} : memref<80x128xf32, #tpu.memory_space<vmem>>, vector<1x16xf32>,
      %swap3A_127 = vector.shape_cast %swap3A_126 : vector<1x16xf32> to vector<16xf32>
      %swap3A_128 = vector.shape_cast %broadcast_in_dim3A_3 : vector<16xf32> to vector<1x16xf32>
      tpu.vector_store %arg5[%swap3A, %swap3A_125], %swap3A_128 {strides = array<i32>} : memref<80x128xf32, #tpu.memory_space<vmem>>, vector<1x16xf32>,
      %swap3A_129 = arith.index_cast %scan3A_123 : i32 to index
      %swap3A_130 = arith.constant 16 : index
      %swap3A_131 = tpu.vector_load %arg5[%swap3A_129, %swap3A_130] {strides = array<i32>} : memref<80x128xf32, #tpu.memory_space<vmem>>, vector<1x16xf32>,
      %swap3A_132 = vector.shape_cast %swap3A_131 : vector<1x16xf32> to vector<16xf32>
      %swap3A_133 = vector.shape_cast %broadcast_in_dim3A_3 : vector<16xf32> to vector<1x16xf32>
      tpu.vector_store %arg5[%swap3A_129, %swap3A_130], %swap3A_133 {strides = array<i32>} : memref<80x128xf32, #tpu.memory_space<vmem>>, vector<1x16xf32>,
      %swap3A_134 = arith.index_cast %scan3A_123 : i32 to index
      %swap3A_135 = arith.constant 32 : index
      %swap3A_136 = tpu.vector_load %arg5[%swap3A_134, %swap3A_135] {strides = array<i32>} : memref<80x128xf32, #tpu.memory_space<vmem>>, vector<1x16xf32>,
      %swap3A_137 = vector.shape_cast %swap3A_136 : vector<1x16xf32> to vector<16xf32>
      %swap3A_138 = vector.shape_cast %broadcast_in_dim3A_3 : vector<16xf32> to vector<1x16xf32>
      tpu.vector_store %arg5[%swap3A_134, %swap3A_135], %swap3A_138 {strides = array<i32>} : memref<80x128xf32, #tpu.memory_space<vmem>>, vector<1x16xf32>,
      %swap3A_139 = arith.index_cast %scan3A_123 : i32 to index
      %swap3A_140 = arith.constant 48 : index
      %swap3A_141 = tpu.vector_load %arg5[%swap3A_139, %swap3A_140] {strides = array<i32>} : memref<80x128xf32, #tpu.memory_space<vmem>>, vector<1x16xf32>,
      %swap3A_142 = vector.shape_cast %swap3A_141 : vector<1x16xf32> to vector<16xf32>
      %swap3A_143 = vector.shape_cast %broadcast_in_dim3A_3 : vector<16xf32> to vector<1x16xf32>
      tpu.vector_store %arg5[%swap3A_139, %swap3A_140], %swap3A_143 {strides = array<i32>} : memref<80x128xf32, #tpu.memory_space<vmem>>, vector<1x16xf32>,
      %swap3A_144 = arith.index_cast %scan3A_123 : i32 to index
      %swap3A_145 = arith.constant 64 : index
      %swap3A_146 = tpu.vector_load %arg5[%swap3A_144, %swap3A_145] {strides = array<i32>} : memref<80x128xf32, #tpu.memory_space<vmem>>, vector<1x16xf32>,
      %swap3A_147 = vector.shape_cast %swap3A_146 : vector<1x16xf32> to vector<16xf32>
      %swap3A_148 = vector.shape_cast %broadcast_in_dim3A_3 : vector<16xf32> to vector<1x16xf32>
      tpu.vector_store %arg5[%swap3A_144, %swap3A_145], %swap3A_148 {strides = array<i32>} : memref<80x128xf32, #tpu.memory_space<vmem>>, vector<1x16xf32>,
      %swap3A_149 = arith.index_cast %scan3A_123 : i32 to index
      %swap3A_150 = arith.constant 80 : index
      %swap3A_151 = tpu.vector_load %arg5[%swap3A_149, %swap3A_150] {strides = array<i32>} : memref<80x128xf32, #tpu.memory_space<vmem>>, vector<1x16xf32>,
      %swap3A_152 = vector.shape_cast %swap3A_151 : vector<1x16xf32> to vector<16xf32>
      %swap3A_153 = vector.shape_cast %broadcast_in_dim3A_3 : vector<16xf32> to vector<1x16xf32>
      tpu.vector_store %arg5[%swap3A_149, %swap3A_150], %swap3A_153 {strides = array<i32>} : memref<80x128xf32, #tpu.memory_space<vmem>>, vector<1x16xf32>,
      %swap3A_154 = arith.index_cast %scan3A_123 : i32 to index
      %swap3A_155 = arith.constant 96 : index
      %swap3A_156 = tpu.vector_load %arg5[%swap3A_154, %swap3A_155] {strides = array<i32>} : memref<80x128xf32, #tpu.memory_space<vmem>>, vector<1x16xf32>,
      %swap3A_157 = vector.shape_cast %swap3A_156 : vector<1x16xf32> to vector<16xf32>
      %swap3A_158 = vector.shape_cast %broadcast_in_dim3A_3 : vector<16xf32> to vector<1x16xf32>
      tpu.vector_store %arg5[%swap3A_154, %swap3A_155], %swap3A_158 {strides = array<i32>} : memref<80x128xf32, #tpu.memory_space<vmem>>, vector<1x16xf32>,
      %swap3A_159 = arith.index_cast %scan3A_123 : i32 to index
      %swap3A_160 = arith.constant 112 : index
      %swap3A_161 = tpu.vector_load %arg5[%swap3A_159, %swap3A_160] {strides = array<i32>} : memref<80x128xf32, #tpu.memory_space<vmem>>, vector<1x16xf32>,
      %swap3A_162 = vector.shape_cast %swap3A_161 : vector<1x16xf32> to vector<16xf32>
      %swap3A_163 = vector.shape_cast %broadcast_in_dim3A_3 : vector<16xf32> to vector<1x16xf32>
      tpu.vector_store %arg5[%swap3A_159, %swap3A_160], %swap3A_163 {strides = array<i32>} : memref<80x128xf32, #tpu.memory_space<vmem>>, vector<1x16xf32>,
      %scan3A_164 = arith.constant 0 : i32
      scf.yield %scan3A_164 : i32
    }
    %scan3A_9 = arith.constant 80 : i32
    %scan3A_10 = arith.constant 0 : i32
    %scan3A_11 = arith.constant 0 : i32
    %scan3A_12 = arith.constant 128 : i32
    %scan3A_13 = arith.addi %scan3A_11, %scan3A_12 : i32
    %scan3A_14 = arith.constant 1 : i32
    %scan3A_15 = scf.for %scan3A_123 = %scan3A_11 to %scan3A_13 step %scan3A_14 iter_args(%scan3A_124 = %scan3A_10) -> (i32)  : i32 {
      %swap3A = arith.index_cast %scan3A_123 : i32 to index
      %swap3A_125 = arith.constant 0 : index
      %swap3A_126 = tpu.vector_load %arg6[%swap3A, %swap3A_125] {strides = array<i32>} : memref<128x128xf32, #tpu.memory_space<vmem>>, vector<1x16xf32>,
      %swap3A_127 = vector.shape_cast %swap3A_126 : vector<1x16xf32> to vector<16xf32>
      %swap3A_128 = vector.shape_cast %broadcast_in_dim3A_1 : vector<16xf32> to vector<1x16xf32>
      tpu.vector_store %arg6[%swap3A, %swap3A_125], %swap3A_128 {strides = array<i32>} : memref<128x128xf32, #tpu.memory_space<vmem>>, vector<1x16xf32>,
      %swap3A_129 = arith.index_cast %scan3A_123 : i32 to index
      %swap3A_130 = arith.constant 16 : index
      %swap3A_131 = tpu.vector_load %arg6[%swap3A_129, %swap3A_130] {strides = array<i32>} : memref<128x128xf32, #tpu.memory_space<vmem>>, vector<1x16xf32>,
      %swap3A_132 = vector.shape_cast %swap3A_131 : vector<1x16xf32> to vector<16xf32>
      %swap3A_133 = vector.shape_cast %broadcast_in_dim3A_1 : vector<16xf32> to vector<1x16xf32>
      tpu.vector_store %arg6[%swap3A_129, %swap3A_130], %swap3A_133 {strides = array<i32>} : memref<128x128xf32, #tpu.memory_space<vmem>>, vector<1x16xf32>,
      %swap3A_134 = arith.index_cast %scan3A_123 : i32 to index
      %swap3A_135 = arith.constant 32 : index
      %swap3A_136 = tpu.vector_load %arg6[%swap3A_134, %swap3A_135] {strides = array<i32>} : memref<128x128xf32, #tpu.memory_space<vmem>>, vector<1x16xf32>,
      %swap3A_137 = vector.shape_cast %swap3A_136 : vector<1x16xf32> to vector<16xf32>
      %swap3A_138 = vector.shape_cast %broadcast_in_dim3A_1 : vector<16xf32> to vector<1x16xf32>
      tpu.vector_store %arg6[%swap3A_134, %swap3A_135], %swap3A_138 {strides = array<i32>} : memref<128x128xf32, #tpu.memory_space<vmem>>, vector<1x16xf32>,
      %swap3A_139 = arith.index_cast %scan3A_123 : i32 to index
      %swap3A_140 = arith.constant 48 : index
      %swap3A_141 = tpu.vector_load %arg6[%swap3A_139, %swap3A_140] {strides = array<i32>} : memref<128x128xf32, #tpu.memory_space<vmem>>, vector<1x16xf32>,
      %swap3A_142 = vector.shape_cast %swap3A_141 : vector<1x16xf32> to vector<16xf32>
      %swap3A_143 = vector.shape_cast %broadcast_in_dim3A_1 : vector<16xf32> to vector<1x16xf32>
      tpu.vector_store %arg6[%swap3A_139, %swap3A_140], %swap3A_143 {strides = array<i32>} : memref<128x128xf32, #tpu.memory_space<vmem>>, vector<1x16xf32>,
      %swap3A_144 = arith.index_cast %scan3A_123 : i32 to index
      %swap3A_145 = arith.constant 64 : index
      %swap3A_146 = tpu.vector_load %arg6[%swap3A_144, %swap3A_145] {strides = array<i32>} : memref<128x128xf32, #tpu.memory_space<vmem>>, vector<1x16xf32>,
      %swap3A_147 = vector.shape_cast %swap3A_146 : vector<1x16xf32> to vector<16xf32>
      %swap3A_148 = vector.shape_cast %broadcast_in_dim3A_1 : vector<16xf32> to vector<1x16xf32>
      tpu.vector_store %arg6[%swap3A_144, %swap3A_145], %swap3A_148 {strides = array<i32>} : memref<128x128xf32, #tpu.memory_space<vmem>>, vector<1x16xf32>,
      %swap3A_149 = arith.index_cast %scan3A_123 : i32 to index
      %swap3A_150 = arith.constant 80 : index
      %swap3A_151 = tpu.vector_load %arg6[%swap3A_149, %swap3A_150] {strides = array<i32>} : memref<128x128xf32, #tpu.memory_space<vmem>>, vector<1x16xf32>,
      %swap3A_152 = vector.shape_cast %swap3A_151 : vector<1x16xf32> to vector<16xf32>
      %swap3A_153 = vector.shape_cast %broadcast_in_dim3A_1 : vector<16xf32> to vector<1x16xf32>
      tpu.vector_store %arg6[%swap3A_149, %swap3A_150], %swap3A_153 {strides = array<i32>} : memref<128x128xf32, #tpu.memory_space<vmem>>, vector<1x16xf32>,
      %swap3A_154 = arith.index_cast %scan3A_123 : i32 to index
      %swap3A_155 = arith.constant 96 : index
      %swap3A_156 = tpu.vector_load %arg6[%swap3A_154, %swap3A_155] {strides = array<i32>} : memref<128x128xf32, #tpu.memory_space<vmem>>, vector<1x16xf32>,
      %swap3A_157 = vector.shape_cast %swap3A_156 : vector<1x16xf32> to vector<16xf32>
      %swap3A_158 = vector.shape_cast %broadcast_in_dim3A_1 : vector<16xf32> to vector<1x16xf32>
      tpu.vector_store %arg6[%swap3A_154, %swap3A_155], %swap3A_158 {strides = array<i32>} : memref<128x128xf32, #tpu.memory_space<vmem>>, vector<1x16xf32>,
      %swap3A_159 = arith.index_cast %scan3A_123 : i32 to index
      %swap3A_160 = arith.constant 112 : index
      %swap3A_161 = tpu.vector_load %arg6[%swap3A_159, %swap3A_160] {strides = array<i32>} : memref<128x128xf32, #tpu.memory_space<vmem>>, vector<1x16xf32>,
      %swap3A_162 = vector.shape_cast %swap3A_161 : vector<1x16xf32> to vector<16xf32>
      %swap3A_163 = vector.shape_cast %broadcast_in_dim3A_1 : vector<16xf32> to vector<1x16xf32>
      tpu.vector_store %arg6[%swap3A_159, %swap3A_160], %swap3A_163 {strides = array<i32>} : memref<128x128xf32, #tpu.memory_space<vmem>>, vector<1x16xf32>,
      %scan3A_164 = arith.constant 0 : i32
      scf.yield %scan3A_164 : i32
    }
    %scan3A_16 = arith.constant 128 : i32
    %dma_start3A = arith.constant 0 : i32
    %dma_start3A_17 = arith.constant 0 : i32
    %dma_start3A_18 = tpu.memref_slice %arg2[%add3A, %dma_start3A, %dma_start3A_17] : memref<32x125x80xi32, #tpu.memory_space<hbm>> -> memref<1x125x80xi32, #tpu.memory_space<hbm>>
    %dma_start3A_19 = tpu.memref_squeeze %dma_start3A_18 : memref<1x125x80xi32, #tpu.memory_space<hbm>> -> memref<125x80xi32, #tpu.memory_space<hbm>>
    %dma_start3A_20 = arith.constant 0 : i32
    %dma_start3A_21 = arith.constant 0 : i32
    %dma_start3A_22 = tpu.memref_slice %arg2[%add3A, %dma_start3A_20, %dma_start3A_21] : memref<32x125x80xi32, #tpu.memory_space<hbm>> -> memref<1x125x80xi32, #tpu.memory_space<hbm>>
    %dma_start3A_23 = tpu.memref_squeeze %dma_start3A_22 : memref<1x125x80xi32, #tpu.memory_space<hbm>> -> memref<125x80xi32, #tpu.memory_space<hbm>>
    tpu.enqueue_dma source(%dma_start3A_23 : memref<125x80xi32, #tpu.memory_space<hbm>>) target(%arg4 : memref<125x80xi32, #tpu.memory_space<vmem>>) target_semaphore(%arg8 : memref<!tpu.dma_semaphore, #tpu.memory_space<semaphore_mem>>)
    %mul3A_24 = arith.constant 640 : i32
    %mul3A_25 = arith.muli %arg1, %mul3A_24 : i32
    %add3A_26 = arith.constant 0 : i32
    %add3A_27 = arith.addi %mul3A_25, %add3A_26 : i32
    %dma_start3A_28 = arith.constant 0 : i32
    %dma_start3A_29 = tpu.memref_slice %arg7[%add3A_27, %dma_start3A_28] : memref<10240x128xf32, #tpu.memory_space<vmem_shared>> -> memref<128x128xf32, #tpu.memory_space<vmem_shared>>
    %dma_start3A_30 = arith.constant 0 : i32
    %dma_start3A_31 = tpu.memref_slice %arg7[%add3A_27, %dma_start3A_30] : memref<10240x128xf32, #tpu.memory_space<vmem_shared>> -> memref<128x128xf32, #tpu.memory_space<vmem_shared>>
    tpu.enqueue_dma source(%arg6 : memref<128x128xf32, #tpu.memory_space<vmem>>) target(%dma_start3A_31 : memref<128x128xf32, #tpu.memory_space<vmem_shared>>) target_semaphore(%arg9 : memref<!tpu.dma_semaphore, #tpu.memory_space<semaphore_mem>>)
    %mul3A_32 = arith.constant 640 : i32
    %mul3A_33 = arith.muli %arg1, %mul3A_32 : i32
    %add3A_34 = arith.constant 128 : i32
    %add3A_35 = arith.addi %mul3A_33, %add3A_34 : i32
    %dma_start3A_36 = arith.constant 0 : i32
    %dma_start3A_37 = tpu.memref_slice %arg7[%add3A_35, %dma_start3A_36] : memref<10240x128xf32, #tpu.memory_space<vmem_shared>> -> memref<128x128xf32, #tpu.memory_space<vmem_shared>>
    %dma_start3A_38 = arith.constant 0 : i32
    %dma_start3A_39 = tpu.memref_slice %arg7[%add3A_35, %dma_start3A_38] : memref<10240x128xf32, #tpu.memory_space<vmem_shared>> -> memref<128x128xf32, #tpu.memory_space<vmem_shared>>
    tpu.enqueue_dma source(%arg6 : memref<128x128xf32, #tpu.memory_space<vmem>>) target(%dma_start3A_39 : memref<128x128xf32, #tpu.memory_space<vmem_shared>>) target_semaphore(%arg9 : memref<!tpu.dma_semaphore, #tpu.memory_space<semaphore_mem>>)
    %mul3A_40 = arith.constant 640 : i32
    %mul3A_41 = arith.muli %arg1, %mul3A_40 : i32
    %add3A_42 = arith.constant 256 : i32
    %add3A_43 = arith.addi %mul3A_41, %add3A_42 : i32
    %dma_start3A_44 = arith.constant 0 : i32
    %dma_start3A_45 = tpu.memref_slice %arg7[%add3A_43, %dma_start3A_44] : memref<10240x128xf32, #tpu.memory_space<vmem_shared>> -> memref<128x128xf32, #tpu.memory_space<vmem_shared>>
    %dma_start3A_46 = arith.constant 0 : i32
    %dma_start3A_47 = tpu.memref_slice %arg7[%add3A_43, %dma_start3A_46] : memref<10240x128xf32, #tpu.memory_space<vmem_shared>> -> memref<128x128xf32, #tpu.memory_space<vmem_shared>>
    tpu.enqueue_dma source(%arg6 : memref<128x128xf32, #tpu.memory_space<vmem>>) target(%dma_start3A_47 : memref<128x128xf32, #tpu.memory_space<vmem_shared>>) target_semaphore(%arg9 : memref<!tpu.dma_semaphore, #tpu.memory_space<semaphore_mem>>)
    %mul3A_48 = arith.constant 640 : i32
    %mul3A_49 = arith.muli %arg1, %mul3A_48 : i32
    %add3A_50 = arith.constant 384 : i32
    %add3A_51 = arith.addi %mul3A_49, %add3A_50 : i32
    %dma_start3A_52 = arith.constant 0 : i32
    %dma_start3A_53 = tpu.memref_slice %arg7[%add3A_51, %dma_start3A_52] : memref<10240x128xf32, #tpu.memory_space<vmem_shared>> -> memref<128x128xf32, #tpu.memory_space<vmem_shared>>
    %dma_start3A_54 = arith.constant 0 : i32
    %dma_start3A_55 = tpu.memref_slice %arg7[%add3A_51, %dma_start3A_54] : memref<10240x128xf32, #tpu.memory_space<vmem_shared>> -> memref<128x128xf32, #tpu.memory_space<vmem_shared>>
    tpu.enqueue_dma source(%arg6 : memref<128x128xf32, #tpu.memory_space<vmem>>) target(%dma_start3A_55 : memref<128x128xf32, #tpu.memory_space<vmem_shared>>) target_semaphore(%arg9 : memref<!tpu.dma_semaphore, #tpu.memory_space<semaphore_mem>>)
    %mul3A_56 = arith.constant 640 : i32
    %mul3A_57 = arith.muli %arg1, %mul3A_56 : i32
    %add3A_58 = arith.constant 512 : i32
    %add3A_59 = arith.addi %mul3A_57, %add3A_58 : i32
    %dma_start3A_60 = arith.constant 0 : i32
    %dma_start3A_61 = tpu.memref_slice %arg7[%add3A_59, %dma_start3A_60] : memref<10240x128xf32, #tpu.memory_space<vmem_shared>> -> memref<128x128xf32, #tpu.memory_space<vmem_shared>>
    %dma_start3A_62 = arith.constant 0 : i32
    %dma_start3A_63 = tpu.memref_slice %arg7[%add3A_59, %dma_start3A_62] : memref<10240x128xf32, #tpu.memory_space<vmem_shared>> -> memref<128x128xf32, #tpu.memory_space<vmem_shared>>
    tpu.enqueue_dma source(%arg6 : memref<128x128xf32, #tpu.memory_space<vmem>>) target(%dma_start3A_63 : memref<128x128xf32, #tpu.memory_space<vmem_shared>>) target_semaphore(%arg9 : memref<!tpu.dma_semaphore, #tpu.memory_space<semaphore_mem>>)
    %dma_wait3A = arith.constant 0 : i32
    %dma_wait3A_64 = arith.constant 0 : i32
    %dma_wait3A_65 = tpu.memref_slice %arg2[%add3A, %dma_wait3A, %dma_wait3A_64] : memref<32x125x80xi32, #tpu.memory_space<hbm>> -> memref<1x125x80xi32, #tpu.memory_space<hbm>>
    %dma_wait3A_66 = tpu.memref_squeeze %dma_wait3A_65 : memref<1x125x80xi32, #tpu.memory_space<hbm>> -> memref<125x80xi32, #tpu.memory_space<hbm>>
    %dma_wait3A_67 = arith.constant 0 : i32
    %dma_wait3A_68 = arith.constant 0 : i32
    %dma_wait3A_69 = tpu.memref_slice %arg2[%add3A, %dma_wait3A_67, %dma_wait3A_68] : memref<32x125x80xi32, #tpu.memory_space<hbm>> -> memref<1x125x80xi32, #tpu.memory_space<hbm>>
    %dma_wait3A_70 = tpu.memref_squeeze %dma_wait3A_69 : memref<1x125x80xi32, #tpu.memory_space<hbm>> -> memref<125x80xi32, #tpu.memory_space<hbm>>
    tpu.wait_dma2 semaphore(%arg8 : memref<!tpu.dma_semaphore, #tpu.memory_space<semaphore_mem>>) src(%dma_wait3A_70 : memref<125x80xi32, #tpu.memory_space<hbm>>) dst(%arg4 : memref<125x80xi32, #tpu.memory_space<vmem>>)
    %mul3A_71 = arith.constant 640 : i32
    %mul3A_72 = arith.muli %arg1, %mul3A_71 : i32
    %add3A_73 = arith.constant 0 : i32
    %add3A_74 = arith.addi %mul3A_72, %add3A_73 : i32
    %dma_wait3A_75 = arith.constant 0 : i32
    %dma_wait3A_76 = tpu.memref_slice %arg7[%add3A_74, %dma_wait3A_75] : memref<10240x128xf32, #tpu.memory_space<vmem_shared>> -> memref<128x128xf32, #tpu.memory_space<vmem_shared>>
    %dma_wait3A_77 = arith.constant 0 : i32
    %dma_wait3A_78 = tpu.memref_slice %arg7[%add3A_74, %dma_wait3A_77] : memref<10240x128xf32, #tpu.memory_space<vmem_shared>> -> memref<128x128xf32, #tpu.memory_space<vmem_shared>>
    tpu.wait_dma2 semaphore(%arg9 : memref<!tpu.dma_semaphore, #tpu.memory_space<semaphore_mem>>) src(%arg6 : memref<128x128xf32, #tpu.memory_space<vmem>>) dst(%dma_wait3A_78 : memref<128x128xf32, #tpu.memory_space<vmem_shared>>)
    %mul3A_79 = arith.constant 640 : i32
    %mul3A_80 = arith.muli %arg1, %mul3A_79 : i32
    %add3A_81 = arith.constant 128 : i32
    %add3A_82 = arith.addi %mul3A_80, %add3A_81 : i32
    %dma_wait3A_83 = arith.constant 0 : i32
    %dma_wait3A_84 = tpu.memref_slice %arg7[%add3A_82, %dma_wait3A_83] : memref<10240x128xf32, #tpu.memory_space<vmem_shared>> -> memref<128x128xf32, #tpu.memory_space<vmem_shared>>
    %dma_wait3A_85 = arith.constant 0 : i32
    %dma_wait3A_86 = tpu.memref_slice %arg7[%add3A_82, %dma_wait3A_85] : memref<10240x128xf32, #tpu.memory_space<vmem_shared>> -> memref<128x128xf32, #tpu.memory_space<vmem_shared>>
    tpu.wait_dma2 semaphore(%arg9 : memref<!tpu.dma_semaphore, #tpu.memory_space<semaphore_mem>>) src(%arg6 : memref<128x128xf32, #tpu.memory_space<vmem>>) dst(%dma_wait3A_86 : memref<128x128xf32, #tpu.memory_space<vmem_shared>>)
    %mul3A_87 = arith.constant 640 : i32
    %mul3A_88 = arith.muli %arg1, %mul3A_87 : i32
    %add3A_89 = arith.constant 256 : i32
    %add3A_90 = arith.addi %mul3A_88, %add3A_89 : i32
    %dma_wait3A_91 = arith.constant 0 : i32
    %dma_wait3A_92 = tpu.memref_slice %arg7[%add3A_90, %dma_wait3A_91] : memref<10240x128xf32, #tpu.memory_space<vmem_shared>> -> memref<128x128xf32, #tpu.memory_space<vmem_shared>>
    %dma_wait3A_93 = arith.constant 0 : i32
    %dma_wait3A_94 = tpu.memref_slice %arg7[%add3A_90, %dma_wait3A_93] : memref<10240x128xf32, #tpu.memory_space<vmem_shared>> -> memref<128x128xf32, #tpu.memory_space<vmem_shared>>
    tpu.wait_dma2 semaphore(%arg9 : memref<!tpu.dma_semaphore, #tpu.memory_space<semaphore_mem>>) src(%arg6 : memref<128x128xf32, #tpu.memory_space<vmem>>) dst(%dma_wait3A_94 : memref<128x128xf32, #tpu.memory_space<vmem_shared>>)
    %mul3A_95 = arith.constant 640 : i32
    %mul3A_96 = arith.muli %arg1, %mul3A_95 : i32
    %add3A_97 = arith.constant 384 : i32
    %add3A_98 = arith.addi %mul3A_96, %add3A_97 : i32
    %dma_wait3A_99 = arith.constant 0 : i32
    %dma_wait3A_100 = tpu.memref_slice %arg7[%add3A_98, %dma_wait3A_99] : memref<10240x128xf32, #tpu.memory_space<vmem_shared>> -> memref<128x128xf32, #tpu.memory_space<vmem_shared>>
    %dma_wait3A_101 = arith.constant 0 : i32
    %dma_wait3A_102 = tpu.memref_slice %arg7[%add3A_98, %dma_wait3A_101] : memref<10240x128xf32, #tpu.memory_space<vmem_shared>> -> memref<128x128xf32, #tpu.memory_space<vmem_shared>>
    tpu.wait_dma2 semaphore(%arg9 : memref<!tpu.dma_semaphore, #tpu.memory_space<semaphore_mem>>) src(%arg6 : memref<128x128xf32, #tpu.memory_space<vmem>>) dst(%dma_wait3A_102 : memref<128x128xf32, #tpu.memory_space<vmem_shared>>)
    %mul3A_103 = arith.constant 640 : i32
    %mul3A_104 = arith.muli %arg1, %mul3A_103 : i32
    %add3A_105 = arith.constant 512 : i32
    %add3A_106 = arith.addi %mul3A_104, %add3A_105 : i32
    %dma_wait3A_107 = arith.constant 0 : i32
    %dma_wait3A_108 = tpu.memref_slice %arg7[%add3A_106, %dma_wait3A_107] : memref<10240x128xf32, #tpu.memory_space<vmem_shared>> -> memref<128x128xf32, #tpu.memory_space<vmem_shared>>
    %dma_wait3A_109 = arith.constant 0 : i32
    %dma_wait3A_110 = tpu.memref_slice %arg7[%add3A_106, %dma_wait3A_109] : memref<10240x128xf32, #tpu.memory_space<vmem_shared>> -> memref<128x128xf32, #tpu.memory_space<vmem_shared>>
    tpu.wait_dma2 semaphore(%arg9 : memref<!tpu.dma_semaphore, #tpu.memory_space<semaphore_mem>>) src(%arg6 : memref<128x128xf32, #tpu.memory_space<vmem>>) dst(%dma_wait3A_110 : memref<128x128xf32, #tpu.memory_space<vmem_shared>>)
    %barrier3A = arith.constant 0 : index
    tpu.barrier barrier_id(%barrier3A)
    %scan3A_111 = arith.constant 0 : i32
    %scan3A_112 = arith.constant 0 : i32
    %scan3A_113 = arith.constant 25 : i32
    %scan3A_114 = arith.addi %scan3A_112, %scan3A_113 : i32
    %scan3A_115 = arith.constant 1 : i32
    %scan3A_116 = scf.for %scan3A_123 = %scan3A_112 to %scan3A_114 step %scan3A_115 iter_args(%scan3A_124 = %scan3A_111) -> (i32)  : i32 {
      %mul3A_125 = arith.constant 5 : i32
      %mul3A_126 = arith.muli %scan3A_123, %mul3A_125 : i32
      %add3A_127 = arith.constant 0 : i32
      %add3A_128 = arith.addi %mul3A_126, %add3A_127 : i32
      %dma_start3A_129 = arith.constant 0 : i32
      %dma_start3A_130 = tpu.memref_slice %arg4[%add3A_128, %dma_start3A_129] : memref<125x80xi32, #tpu.memory_space<vmem>> -> memref<1x80xi32, #tpu.memory_space<vmem>>
      %dma_start3A_131 = tpu.memref_squeeze %dma_start3A_130 : memref<1x80xi32, #tpu.memory_space<vmem>> -> memref<80xi32, #tpu.memory_space<vmem>>
      %dma_start3A_132 = arith.constant 0 : i32
      %dma_start3A_133 = arith.constant 0 : i32
      %dma_start3A_134 = tpu.memref_slice %arg7[%dma_start3A_132, %dma_start3A_133] : memref<10240x128xf32, #tpu.memory_space<vmem_shared>> -> memref<10240x128xf32, #tpu.memory_space<vmem_shared>>
      tpu.enqueue_indirect_dma source(%arg5 : memref<80x128xf32, #tpu.memory_space<vmem>>) target(%dma_start3A_134 : memref<10240x128xf32, #tpu.memory_space<vmem_shared>>) offsets(%dma_start3A_131 : memref<80xi32, #tpu.memory_space<vmem>>) semaphore(%arg9 : memref<!tpu.dma_semaphore, #tpu.memory_space<semaphore_mem>>) {add = true}
      %mul3A_135 = arith.constant 5 : i32
      %mul3A_136 = arith.muli %scan3A_123, %mul3A_135 : i32
      %add3A_137 = arith.constant 1 : i32
      %add3A_138 = arith.addi %mul3A_136, %add3A_137 : i32
      %dma_start3A_139 = arith.constant 0 : i32
      %dma_start3A_140 = tpu.memref_slice %arg4[%add3A_138, %dma_start3A_139] : memref<125x80xi32, #tpu.memory_space<vmem>> -> memref<1x80xi32, #tpu.memory_space<vmem>>
      %dma_start3A_141 = tpu.memref_squeeze %dma_start3A_140 : memref<1x80xi32, #tpu.memory_space<vmem>> -> memref<80xi32, #tpu.memory_space<vmem>>
      %dma_start3A_142 = arith.constant 0 : i32
      %dma_start3A_143 = arith.constant 0 : i32
      %dma_start3A_144 = tpu.memref_slice %arg7[%dma_start3A_142, %dma_start3A_143] : memref<10240x128xf32, #tpu.memory_space<vmem_shared>> -> memref<10240x128xf32, #tpu.memory_space<vmem_shared>>
      tpu.enqueue_indirect_dma source(%arg5 : memref<80x128xf32, #tpu.memory_space<vmem>>) target(%dma_start3A_144 : memref<10240x128xf32, #tpu.memory_space<vmem_shared>>) offsets(%dma_start3A_141 : memref<80xi32, #tpu.memory_space<vmem>>) semaphore(%arg9 : memref<!tpu.dma_semaphore, #tpu.memory_space<semaphore_mem>>) {add = true}
      %mul3A_145 = arith.constant 5 : i32
      %mul3A_146 = arith.muli %scan3A_123, %mul3A_145 : i32
      %add3A_147 = arith.constant 2 : i32
      %add3A_148 = arith.addi %mul3A_146, %add3A_147 : i32
      %dma_start3A_149 = arith.constant 0 : i32
      %dma_start3A_150 = tpu.memref_slice %arg4[%add3A_148, %dma_start3A_149] : memref<125x80xi32, #tpu.memory_space<vmem>> -> memref<1x80xi32, #tpu.memory_space<vmem>>
      %dma_start3A_151 = tpu.memref_squeeze %dma_start3A_150 : memref<1x80xi32, #tpu.memory_space<vmem>> -> memref<80xi32, #tpu.memory_space<vmem>>
      %dma_start3A_152 = arith.constant 0 : i32
      %dma_start3A_153 = arith.constant 0 : i32
      %dma_start3A_154 = tpu.memref_slice %arg7[%dma_start3A_152, %dma_start3A_153] : memref<10240x128xf32, #tpu.memory_space<vmem_shared>> -> memref<10240x128xf32, #tpu.memory_space<vmem_shared>>
      tpu.enqueue_indirect_dma source(%arg5 : memref<80x128xf32, #tpu.memory_space<vmem>>) target(%dma_start3A_154 : memref<10240x128xf32, #tpu.memory_space<vmem_shared>>) offsets(%dma_start3A_151 : memref<80xi32, #tpu.memory_space<vmem>>) semaphore(%arg9 : memref<!tpu.dma_semaphore, #tpu.memory_space<semaphore_mem>>) {add = true}
      %mul3A_155 = arith.constant 5 : i32
      %mul3A_156 = arith.muli %scan3A_123, %mul3A_155 : i32
      %add3A_157 = arith.constant 3 : i32
      %add3A_158 = arith.addi %mul3A_156, %add3A_157 : i32
      %dma_start3A_159 = arith.constant 0 : i32
      %dma_start3A_160 = tpu.memref_slice %arg4[%add3A_158, %dma_start3A_159] : memref<125x80xi32, #tpu.memory_space<vmem>> -> memref<1x80xi32, #tpu.memory_space<vmem>>
      %dma_start3A_161 = tpu.memref_squeeze %dma_start3A_160 : memref<1x80xi32, #tpu.memory_space<vmem>> -> memref<80xi32, #tpu.memory_space<vmem>>
      %dma_start3A_162 = arith.constant 0 : i32
      %dma_start3A_163 = arith.constant 0 : i32
      %dma_start3A_164 = tpu.memref_slice %arg7[%dma_start3A_162, %dma_start3A_163] : memref<10240x128xf32, #tpu.memory_space<vmem_shared>> -> memref<10240x128xf32, #tpu.memory_space<vmem_shared>>
      tpu.enqueue_indirect_dma source(%arg5 : memref<80x128xf32, #tpu.memory_space<vmem>>) target(%dma_start3A_164 : memref<10240x128xf32, #tpu.memory_space<vmem_shared>>) offsets(%dma_start3A_161 : memref<80xi32, #tpu.memory_space<vmem>>) semaphore(%arg9 : memref<!tpu.dma_semaphore, #tpu.memory_space<semaphore_mem>>) {add = true}
      %mul3A_165 = arith.constant 5 : i32
      %mul3A_166 = arith.muli %scan3A_123, %mul3A_165 : i32
      %add3A_167 = arith.constant 4 : i32
      %add3A_168 = arith.addi %mul3A_166, %add3A_167 : i32
      %dma_start3A_169 = arith.constant 0 : i32
      %dma_start3A_170 = tpu.memref_slice %arg4[%add3A_168, %dma_start3A_169] : memref<125x80xi32, #tpu.memory_space<vmem>> -> memref<1x80xi32, #tpu.memory_space<vmem>>
      %dma_start3A_171 = tpu.memref_squeeze %dma_start3A_170 : memref<1x80xi32, #tpu.memory_space<vmem>> -> memref<80xi32, #tpu.memory_space<vmem>>
      %dma_start3A_172 = arith.constant 0 : i32
      %dma_start3A_173 = arith.constant 0 : i32
      %dma_start3A_174 = tpu.memref_slice %arg7[%dma_start3A_172, %dma_start3A_173] : memref<10240x128xf32, #tpu.memory_space<vmem_shared>> -> memref<10240x128xf32, #tpu.memory_space<vmem_shared>>
      tpu.enqueue_indirect_dma source(%arg5 : memref<80x128xf32, #tpu.memory_space<vmem>>) target(%dma_start3A_174 : memref<10240x128xf32, #tpu.memory_space<vmem_shared>>) offsets(%dma_start3A_171 : memref<80xi32, #tpu.memory_space<vmem>>) semaphore(%arg9 : memref<!tpu.dma_semaphore, #tpu.memory_space<semaphore_mem>>) {add = true}
      %dma_wait3A_175 = arith.constant 0 : i32
      %dma_wait3A_176 = arith.constant 0 : i32
      %dma_wait3A_177 = tpu.memref_slice %arg4[%dma_wait3A_175, %dma_wait3A_176] : memref<125x80xi32, #tpu.memory_space<vmem>> -> memref<1x80xi32, #tpu.memory_space<vmem>>
      %dma_wait3A_178 = tpu.memref_squeeze %dma_wait3A_177 : memref<1x80xi32, #tpu.memory_space<vmem>> -> memref<80xi32, #tpu.memory_space<vmem>>
      %dma_wait3A_179 = arith.constant 0 : i32
      %dma_wait3A_180 = arith.constant 0 : i32
      %dma_wait3A_181 = tpu.memref_slice %arg7[%dma_wait3A_179, %dma_wait3A_180] : memref<10240x128xf32, #tpu.memory_space<vmem_shared>> -> memref<10240x128xf32, #tpu.memory_space<vmem_shared>>
      tpu.wait_indirect_dma semaphore(%arg9 : memref<!tpu.dma_semaphore, #tpu.memory_space<semaphore_mem>>) src(%arg5 : memref<80x128xf32, #tpu.memory_space<vmem>>) dst(%dma_wait3A_181 : memref<10240x128xf32, #tpu.memory_space<vmem_shared>>)
      %dma_wait3A_182 = arith.constant 0 : i32
      %dma_wait3A_183 = arith.constant 0 : i32
      %dma_wait3A_184 = tpu.memref_slice %arg4[%dma_wait3A_182, %dma_wait3A_183] : memref<125x80xi32, #tpu.memory_space<vmem>> -> memref<1x80xi32, #tpu.memory_space<vmem>>
      %dma_wait3A_185 = tpu.memref_squeeze %dma_wait3A_184 : memref<1x80xi32, #tpu.memory_space<vmem>> -> memref<80xi32, #tpu.memory_space<vmem>>
      %dma_wait3A_186 = arith.constant 0 : i32
      %dma_wait3A_187 = arith.constant 0 : i32
      %dma_wait3A_188 = tpu.memref_slice %arg7[%dma_wait3A_186, %dma_wait3A_187] : memref<10240x128xf32, #tpu.memory_space<vmem_shared>> -> memref<10240x128xf32, #tpu.memory_space<vmem_shared>>
      tpu.wait_indirect_dma semaphore(%arg9 : memref<!tpu.dma_semaphore, #tpu.memory_space<semaphore_mem>>) src(%arg5 : memref<80x128xf32, #tpu.memory_space<vmem>>) dst(%dma_wait3A_188 : memref<10240x128xf32, #tpu.memory_space<vmem_shared>>)
      %dma_wait3A_189 = arith.constant 0 : i32
      %dma_wait3A_190 = arith.constant 0 : i32
      %dma_wait3A_191 = tpu.memref_slice %arg4[%dma_wait3A_189, %dma_wait3A_190] : memref<125x80xi32, #tpu.memory_space<vmem>> -> memref<1x80xi32, #tpu.memory_space<vmem>>
      %dma_wait3A_192 = tpu.memref_squeeze %dma_wait3A_191 : memref<1x80xi32, #tpu.memory_space<vmem>> -> memref<80xi32, #tpu.memory_space<vmem>>
      %dma_wait3A_193 = arith.constant 0 : i32
      %dma_wait3A_194 = arith.constant 0 : i32
      %dma_wait3A_195 = tpu.memref_slice %arg7[%dma_wait3A_193, %dma_wait3A_194] : memref<10240x128xf32, #tpu.memory_space<vmem_shared>> -> memref<10240x128xf32, #tpu.memory_space<vmem_shared>>
      tpu.wait_indirect_dma semaphore(%arg9 : memref<!tpu.dma_semaphore, #tpu.memory_space<semaphore_mem>>) src(%arg5 : memref<80x128xf32, #tpu.memory_space<vmem>>) dst(%dma_wait3A_195 : memref<10240x128xf32, #tpu.memory_space<vmem_shared>>)
      %dma_wait3A_196 = arith.constant 0 : i32
      %dma_wait3A_197 = arith.constant 0 : i32
      %dma_wait3A_198 = tpu.memref_slice %arg4[%dma_wait3A_196, %dma_wait3A_197] : memref<125x80xi32, #tpu.memory_space<vmem>> -> memref<1x80xi32, #tpu.memory_space<vmem>>
      %dma_wait3A_199 = tpu.memref_squeeze %dma_wait3A_198 : memref<1x80xi32, #tpu.memory_space<vmem>> -> memref<80xi32, #tpu.memory_space<vmem>>
      %dma_wait3A_200 = arith.constant 0 : i32
      %dma_wait3A_201 = arith.constant 0 : i32
      %dma_wait3A_202 = tpu.memref_slice %arg7[%dma_wait3A_200, %dma_wait3A_201] : memref<10240x128xf32, #tpu.memory_space<vmem_shared>> -> memref<10240x128xf32, #tpu.memory_space<vmem_shared>>
      tpu.wait_indirect_dma semaphore(%arg9 : memref<!tpu.dma_semaphore, #tpu.memory_space<semaphore_mem>>) src(%arg5 : memref<80x128xf32, #tpu.memory_space<vmem>>) dst(%dma_wait3A_202 : memref<10240x128xf32, #tpu.memory_space<vmem_shared>>)
      %dma_wait3A_203 = arith.constant 0 : i32
      %dma_wait3A_204 = arith.constant 0 : i32
      %dma_wait3A_205 = tpu.memref_slice %arg4[%dma_wait3A_203, %dma_wait3A_204] : memref<125x80xi32, #tpu.memory_space<vmem>> -> memref<1x80xi32, #tpu.memory_space<vmem>>
      %dma_wait3A_206 = tpu.memref_squeeze %dma_wait3A_205 : memref<1x80xi32, #tpu.memory_space<vmem>> -> memref<80xi32, #tpu.memory_space<vmem>>
      %dma_wait3A_207 = arith.constant 0 : i32
      %dma_wait3A_208 = arith.constant 0 : i32
      %dma_wait3A_209 = tpu.memref_slice %arg7[%dma_wait3A_207, %dma_wait3A_208] : memref<10240x128xf32, #tpu.memory_space<vmem_shared>> -> memref<10240x128xf32, #tpu.memory_space<vmem_shared>>
      tpu.wait_indirect_dma semaphore(%arg9 : memref<!tpu.dma_semaphore, #tpu.memory_space<semaphore_mem>>) src(%arg5 : memref<80x128xf32, #tpu.memory_space<vmem>>) dst(%dma_wait3A_209 : memref<10240x128xf32, #tpu.memory_space<vmem_shared>>)
      %scan3A_210 = arith.constant 0 : i32
      scf.yield %scan3A_210 : i32
    }
    %scan3A_117 = arith.constant 25 : i32
    %barrier3A_118 = arith.constant 0 : index
    tpu.barrier barrier_id(%barrier3A_118)
    %mul3A_119 = arith.constant 640 : i32
    %mul3A_120 = arith.muli %arg1, %mul3A_119 : i32
    %mul3A_121 = arith.constant 640 : i32
    %mul3A_122 = arith.muli %arg1, %mul3A_121 : i32
    "tpu.region"() ({
      %run_scoped3A = tpu.sem_alloc : memref<!tpu.dma_semaphore, #tpu.memory_space<semaphore_mem>>
      %dma_start3A_123 = arith.constant 0 : i32
      %dma_start3A_124 = tpu.memref_slice %arg3[%arg0, %mul3A_122, %dma_start3A_123] : memref<2x10240x128xf32, #tpu.memory_space<hbm>> -> memref<1x640x128xf32, #tpu.memory_space<hbm>>
      %dma_start3A_125 = tpu.memref_squeeze %dma_start3A_124 : memref<1x640x128xf32, #tpu.memory_space<hbm>> -> memref<640x128xf32, #tpu.memory_space<hbm>>
      %dma_start3A_126 = arith.constant 0 : i32
      %dma_start3A_127 = tpu.memref_slice %arg7[%mul3A_120, %dma_start3A_126] : memref<10240x128xf32, #tpu.memory_space<vmem_shared>> -> memref<640x128xf32, #tpu.memory_space<vmem_shared>>
      tpu.enqueue_dma source(%dma_start3A_127 : memref<640x128xf32, #tpu.memory_space<vmem_shared>>) target(%dma_start3A_125 : memref<640x128xf32, #tpu.memory_space<hbm>>) target_semaphore(%run_scoped3A : memref<!tpu.dma_semaphore, #tpu.memory_space<semaphore_mem>>)
      %dma_wait3A_128 = arith.constant 0 : i32
      %dma_wait3A_129 = tpu.memref_slice %arg3[%arg0, %mul3A_122, %dma_wait3A_128] : memref<2x10240x128xf32, #tpu.memory_space<hbm>> -> memref<1x640x128xf32, #tpu.memory_space<hbm>>
      %dma_wait3A_130 = tpu.memref_squeeze %dma_wait3A_129 : memref<1x640x128xf32, #tpu.memory_space<hbm>> -> memref<640x128xf32, #tpu.memory_space<hbm>>
      %dma_wait3A_131 = arith.constant 0 : i32
      %dma_wait3A_132 = tpu.memref_slice %arg7[%mul3A_120, %dma_wait3A_131] : memref<10240x128xf32, #tpu.memory_space<vmem_shared>> -> memref<640x128xf32, #tpu.memory_space<vmem_shared>>
      tpu.wait_dma2 semaphore(%run_scoped3A : memref<!tpu.dma_semaphore, #tpu.memory_space<semaphore_mem>>) src(%dma_wait3A_132 : memref<640x128xf32, #tpu.memory_space<vmem_shared>>) dst(%dma_wait3A_130 : memref<640x128xf32, #tpu.memory_space<hbm>>)
      tpu.yield
    }) : () -> ()
    return
  }
}

</mosaic_0001>

<sc_bundles>
// kernel: _deg_kernel.3.cloned.1.call-start
scs
__scs_entry_jumppad:
0x0: {  	(pc) =	sbr.rel $0x88, $3  }
0x1: {  	(tag) =	ssettag $0x0;
	lr =	simm.s32 $0x1  }
0x2: {  	[smem:$0x3FA0] =	sst lr;
	_ =	strace $0xD0000000  }
0x3: {  	_ = 	snop  }
0x4: {  	_ = 	snop  }
0x5: {  	_ = 	snop  }
0x6: {  	_ = 	snop  }
0x7: {  	_ = 	snop  }
__scs_overlays_trampoline_lowered:
0x8: {  	[smem:$0x3FAF] =	sst s0  }
0x9: {  	[smem:$0x3FB0] =	sst s1  }
0xa: {  	[smem:$0x3FB1] =	sst s2  }
0xb: {  	[smem:$0x3FB2] =	sst s3  }
0xc: {  	[smem:$0x3FB3] =	sst s4  }
0xd: {  	[smem:$0x3FB4] =	sst s5  }
0xe: {  	[smem:$0x3FB5] =	sst s6  }
0xf: {  	[smem:$0x3FB6] =	sst s7  }
0x10: {  	[smem:$0x3FB7] =	sst s8  }
0x11: {  	[smem:$0x3FB8] =	sst s9;
	s0 =	simm.s32 @!p0 $0x0  }
0x12: {  	s1 =	sld [smem:$0x3F9E];
	s0 =	simm.s32 @p0 $0x1  }
0x13: {  	[smem:$0x3FB9] =	sst s0;
	s0 =	simm.s32 @!p1 $0x0  }
0x14: {  	s2 =	sld [smem:$0x3F9D];
	s0 =	simm.s32 @p1 $0x1  }
0x15: {  	[smem:$0x3FBA] =	sst s0;
	s0 =	simm.s32 @!p2 $0x0  }
0x16: {  	s3 =	sld [smem:$0x3FDB];
	s0 =	simm.s32 @p2 $0x1  }
0x17: {  	s4 =	simm.s32 $0x1BF5;
	[smem:$0x3FBC] =	sst s0  }
0x18: {  	s0 =	sld [smem:$0x3F9F];
	_ =	swait.ge [sflag:s4], $0x0  }
0x19: {  	s7 =	sld [smem:$0x3FA0]  }
0x1a: {  	s8 =	sadd.s32 $0xFFFFE003, lr  }
0x1b: {  	s9 =	sadd.s32 $0xFFFFFEF7, lr;
	s5 =	simm.s32 $0xFFFFFFFF;
	p2 =	slt.u32 s8, $0xFFFFF086  }
0x1c: {  	p1 =	slt.u32 s9, $0xF7A;
	s5 =	simm.s32 @!p2 $0x0  }
0x1d: {  	s5 =	simm.s32 @p1 $0x1;
	p0 =	seq.s32 s7, s2  }
0x1e: {  	s7 =	smul.u32 @!p0 $0xF7A, s2;
	p2 =	seq.s32 @!p0 s5, $0x0  }
0x1f: {  	s9 =	smul.u32 $0xF7A, s1;
	s8 =	simm.s32 @!p0 $0x1BF5;
	p2 =	por !p2, p0  }
0x20: {  	[sflag:s8] =	ssyncset.s32 @!p0 $0xFFFFF086;
	s6 =	sadd.s32 @!p0 s3, s7;
	s7 =	simm.s32 @!p0 $0x108  }
0x21: {  	s3 =	sadd.s32 s3, s9;
	s6 =	sadd.s32 @!p0 $0x88, s6;
	s7 =	simm.s32 @p2 $0x1082  }
0x22: {  	[simem:s7], [sflag:s8] =	dma.local @!p0 [hbm:s6], $0xF7A  }
0x23: {  	s9 =	sor.u32 $0xD0000000, s2;
	s6 =	simm.s32 $0x108;
	_ =	swait.ge @!p0 [sflag:s8], $0x0  }
0x24: {  	s3 =	sadd.s32 $0x88, s3;
	s6 =	simm.s32 @!p1 $0x1082;
	[sflag:s4] =	ssyncset.s32 $0xFFFFF086  }
0x25: {  	[simem:s6], [sflag:s4] =	dma.local [hbm:s3], $0xF7A  }
0x26: {  	[smem:$0x3FA0] =	sst s1;
	(tag) =	ssettag s2;
	_ =	strace s9  }
0x27: {  	s1 =	sld [smem:$0x3FB0]  }
0x28: {  	s2 =	sld [smem:$0x3FB1]  }
0x29: {  	s4 =	sld [smem:$0x3FB3]  }
0x2a: {  	p0 =	seq.s32 s5, $0x0;
	s5 =	sld [smem:$0x3FB4]  }
0x2b: {  	s6 =	sld [smem:$0x3FB5]  }
0x2c: {  	s7 =	sld [smem:$0x3FB6]  }
0x2d: {  	s3 =	simm.s32 $0x108;
	s8 =	sld [smem:$0x3FB7]  }
0x2e: {  	s3 =	simm.s32 @!p0 $0x1082;
	s9 =	sld [smem:$0x3FB8]  }
0x2f: {  	lr =	sadd.s32 s0, s3;
	s0 =	sld [smem:$0x3FAF]  }
0x30: {  	s3 =	sld [smem:$0x3FB2]  }
0x31: {  	[smem:$0x3FBB] =	sst s10  }
0x32: {  	s10 =	sld [smem:$0x3FB9];
	_ =	sdelay $0x3  }
0x33: {  	p0 =	seq.s32 s10, $0x1;
	s10 =	sld [smem:$0x3FBB];
	_ =	sdelay $0x3  }
0x34: {  	[smem:$0x3FBB] =	sst s10  }
0x35: {  	s10 =	sld [smem:$0x3FBA];
	_ =	sdelay $0x3  }
0x36: {  	p1 =	seq.s32 s10, $0x1;
	s10 =	sld [smem:$0x3FBB];
	_ =	sdelay $0x3  }
0x37: {  	[smem:$0x3FBB] =	sst s10  }
0x38: {  	s10 =	sld [smem:$0x3FBC]  }
0x39: {  	_ = 	snop;
	(pc) =	sbr.ind lr, $3  }
0x3a: {  	_ = 	snop  }
0x3b: {  	_ = 	snop  }
0x3c: {  	p2 =	seq.s32 s10, $0x1;
	s10 =	sld [smem:$0x3FBB]  }
0x3d: {  	_ =	shalt  }
0x3e: {  	_ =	shalt  }
0x3f: {  	_ =	shalt  }
0x40: {  	_ =	shalt  }
0x41: {  	_ =	shalt  }
0x42: {  	_ =	shalt  }
0x43: {  	_ =	shalt  }
0x44: {  	_ =	shalt  }
0x45: {  	_ =	shalt  }
0x46: {  	_ =	shalt  }
0x47: {  	_ =	shalt  }
0x48: {  	_ =	shalt  }
0x49: {  	_ =	shalt  }
0x4a: {  	_ =	shalt  }
0x4b: {  	_ =	shalt  }
0x4c: {  	_ =	shalt  }
0x4d: {  	_ =	shalt  }
0x4e: {  	_ =	shalt  }
0x4f: {  	_ =	shalt  }
0x50: {  	_ =	shalt  }
0x51: {  	_ =	shalt  }
0x52: {  	_ =	shalt  }
0x53: {  	_ =	shalt  }
0x54: {  	_ =	shalt  }
0x55: {  	_ =	shalt  }
0x56: {  	_ =	shalt  }
0x57: {  	_ =	shalt  }
0x58: {  	_ =	shalt  }
0x59: {  	_ =	shalt  }
0x5a: {  	_ =	shalt  }
0x5b: {  	_ =	shalt  }
0x5c: {  	_ =	shalt  }
0x5d: {  	_ =	shalt  }
0x5e: {  	_ =	shalt  }
0x5f: {  	_ =	shalt  }
0x60: {  	_ =	shalt  }
0x61: {  	_ =	shalt  }
0x62: {  	_ =	shalt  }
0x63: {  	_ =	shalt  }
0x64: {  	_ =	shalt  }
0x65: {  	_ =	shalt  }
0x66: {  	_ =	shalt  }
0x67: {  	_ =	shalt  }
0x68: {  	_ =	shalt  }
0x69: {  	_ =	shalt  }
0x6a: {  	_ =	shalt  }
0x6b: {  	_ =	shalt  }
0x6c: {  	_ =	shalt  }
0x6d: {  	_ =	shalt  }
0x6e: {  	_ =	shalt  }
0x6f: {  	_ =	shalt  }
0x70: {  	_ =	shalt  }
0x71: {  	_ =	shalt  }
0x72: {  	_ =	shalt  }
0x73: {  	_ =	shalt  }
0x74: {  	_ =	shalt  }
0x75: {  	_ =	shalt  }
0x76: {  	_ =	shalt  }
0x77: {  	_ =	shalt  }
0x78: {  	_ =	shalt  }
0x79: {  	_ =	shalt  }
0x7a: {  	_ =	shalt  }
0x7b: {  	_ =	shalt  }
0x7c: {  	_ =	shalt  }
0x7d: {  	_ =	shalt  }
0x7e: {  	_ =	shalt  }
0x7f: {  	_ =	shalt  }
0x80: {  	_ =	shalt  }
0x81: {  	_ =	shalt  }
0x82: {  	_ =	shalt  }
0x83: {  	_ =	shalt  }
0x84: {  	_ =	shalt  }
0x85: {  	_ =	shalt  }
0x86: {  	_ =	shalt  }
0x87: {  	_ =	shalt  }
.Lfunc_end0:
.L_simem_size_0:
called_computation_lowered:
.L_overlay_start_0:
0x88: {  	s2 =	sld [smem:$0x3FD9]  }
0x89: {  	s3 =	sld [smem:$0x3FFE];
	_ =	sdelay $0x1  }
0x8a: {  	s1 =	srdreg.scid  }
0x8b: {  	s0 =	sand.u32 $0x1, s1  }
0x8c: {  	s17 =	sshll.u32 s0, $0xA;
	s2 =	sadd.s32 s3, s2  }
0x8d: {  	s2 =	sadd.s32 s2, s17  }
0x8e: {  	[smem:$0x3FC7] =	sst s2  }
0x8f: {  	_ = 	snop  }
0x90: {  	s2 =	sld [smem:$0x3FD0];
	(tm) =	ssettm $0x1  }
0x91: {  	s18 =	sld [smem:$0x3FFB];
	_ =	sdelay $0x3  }
0x92: {  	_ =	strace s18  }
0x93: {  	s3 =	sld [smem:$0x3FFC];
	_ =	sdelay $0x3  }
0x94: {  	_ =	strace s3  }
0x95: {  	s3 =	sld [smem:$0x3FFD];
	_ =	sdelay $0x3  }
0x96: {  	_ =	strace s3  }
0x97: {  	_ =	strace $0x8FFFFFFF  }
0x98: {  	s19 =	sld [smem:$0x3FDB];
	_ =	sdelay $0x1  }
0x99: {  	s4 =	simm.s32 $_scs_section_size  }
0x9a: {  	s5 =	simm.s32 $_size__tile_overlayer_lowered;
	s6 =	simm.s32 $_tile_overlayer_lowered  }
0x9b: {  	s22 =	simm.s32 $0x1BFF;
	s21 =	sshll.u32 s6, $0x1;
	s3 =	sadd.s32 s4, s19  }
0x9c: {  	s7 =	simm.s32 $0x0;
	s20 =	sshll.u32 s5, $0x1;
	s5 =	sadd.s32 s21, s3  }
0x9d: {  	[timem:s7], [sflag:s22] =	dma.local [hbm:s5], s20  }
0x9e: {  	_ =	swait.ge [sflag:s22], s20  }
0x9f: {  	s4 =	ssub.s32 $0x0, s20;
	[sflag:s22] =	ssyncset.done $0x0  }
0xa0: {  	[sflag:s22] =	ssyncadd.s32 s4;
	_ =	sdelay $0x1  }
0xa1: {  	s23 =	simm.s32 $0x1B8B  }
0xa2: {  	_ =	swait.ge [sflag:s23], $0x1  }
0xa3: {  	[sflag:s23] =	ssyncset.done $0x0  }
0xa4: {  	s25 =	simm.s32 $0x1B8E;
	s24 =	sld [smem:$0x3FFE];
	[sflag:s23] =	ssyncadd.s32 $0xFFFFFFFF  }
0xa5: {  	s26 =	simm.s32 $execute0_lowered;
	[smem:$0x3FD2] =	sst s25  }
0xa6: {  	s5 =	sshll.u32 s26, $0x1;
	_ =	strace $0x80000046;
	[dreg:$0x1] =	wrdreg $0xFFFFFFFF  }
0xa7: {  	s28 =	simm.s32 $_size_execute0_lowered;
	s3 =	sadd.s32 s3, s5;
	[dreg:$0x0] =	wrdreg $0x0  }
0xa8: {  	s5 =	sshll.u32 s28, $0x1;
	[dreg:$0x2] =	wrdreg s3  }
0xa9: {  	[dreg:$0x3] =	wrdreg s5  }
0xaa: {  	[dreg:$0x4] =	wrdreg $0xC0  }
0xab: {  	_ =	task [dreg:s7], $0x5FFFF  }
0xac: {  	[dreg:$0x1] =	wrdreg $0xFFFFFFFF  }
0xad: {  	[dreg:$0x0] =	wrdreg $0x60  }
0xae: {  	[dreg:$0x2] =	wrdreg s24  }
0xaf: {  	[dreg:$0x3] =	wrdreg s2  }
0xb0: {  	[dreg:$0x4] =	wrdreg $0xA8000  }
0xb1: {  	[dreg:$0x5] =	wrdreg $0x9  }
0xb2: {  	_ =	task.clear_ibuf [dreg:s7], $0x6FFFF;
	_ =	strace $0x90000046  }
0xb3: {  	s29 =	simm.s32 $0x9;
	_ =	strace $0x80000048  }
0xb4: {  	_ =	swait.ge [sflag:s29], $0x1  }
0xb5: {  	[sflag:s29] =	ssyncadd.s32 $0xFFFFFFFF  }
0xb6: {  	_ =	strace $0x90000048  }
0xb7: {  	_ =	sfence  }
0xb8: {  	s30 =	sld [smem:$0x0];
	_ =	sdelay $0x2  }
0xb9: {  	s31 =	sshll.u32 s1, $0xD;
	s1 =	sshrl.u32 s1, $0x2  }
0xba: {  	s3 =	sand.u32 $0x4000, s31;
	s1 =	sadd.s32 s1, s30  }
0xbb: {  	s0 =	sor.u32 s3, s0;
	s1 =	sshll.u32 s1, $0x11  }
0xbc: {  	s0 =	sor.u32 s1, s0  }
0xbd: {  	s0 =	sadd.s32 $0x8F2B, s0  }
0xbe: {  	[sflag:s0] =	ssyncadd.remote.s32 $0x1  }
0xbf: {  	_ =	sfence.sel $0xFFFF  }
0xc0: {  	[dreg:$0x0] =	wrdreg $0xFFFFFFFF;
	(pc) =	sbr.abs _section_cstart, $3  }
0xc1: {  	[dreg:$0x1] =	wrdreg $0xFFFFFFFF  }
0xc2: {  	_ =	task.clear_ibuf [dreg:s7], $0x2FFFF;
	_ =	strace $0x9FFFFFFF  }
0xc3: {  	(tm) =	ssettm $0x7FFFFFFF  }
tec
execute0_lowered:
.L_overlay_start_1:
0x0: {  	(tag) =	ssettag $0x1  }
0x1: {  	s4 =	rddreg [dreg:$0x0]  }
0x2: {  	s10 =	rddreg [dreg:$0x1]  }
0x3: {  	s1 =	rddreg [dreg:$0x2]  }
0x4: {  	s0 =	rddreg [dreg:$0x3]  }
0x5: {  	s3 =	simm.s32 $0x0;
	s5 =	srdreg.scid;
	s2 =	stileid.u32  }
0x6: {  	s13 =	simm.s32 $0x1;
	s14 =	simm.s32 $0x2;
	s15 =	simm.s32 $0x50  }
0x7: {  	s16 =	simm.s32 $0x4000;
	s19 =	simm.s32 $0x3;
	[smem:$0x7FF] =	sst s3  }
0x8: {  	s5 =	sand.u32 $0x1, s5;
	s6 =	sshll.u32 s2, $0xB;
	s8 =	smul.u32 $0x50000, s2  }
0x9: {  	s11 =	smul.u32 $0x14000, s2;
	s17 =	sshll.u32 s2, $0x6;
	_ =	strace $0x80000047  }
0xa: {  	s7 =	ssub.s32 $0x2, s5;
	s4 =	sadd.s32 s6, s4;
	s9 =	smul.u32 $0x140000, s5  }
0xb: {  	s5 =	sshll.u32 s5, $0xF;
	s17 =	sor.u32 $0x1C03, s17;
	s31 =	sshrl.u32 s7, $0x1  }
0xc: {  	s8 =	sshrl.u32 s8, $0x2;
	s5 =	sadd.s32 s5, s4;
	s12 =	ssub.s32 s7, s31  }
0xd: {  	s4 =	sadd.s32 s8, s1;
	s5 =	sadd.s32 $0x400, s5;
	s9 =	sadd.s32 s11, s9  }
0xe: {  	s6 =	sadd.s32 $0x4000, s4;
	s7 =	sadd.s32 $0x8000, s4;
	s8 =	sadd.s32 $0xC000, s4  }
0xf: {  	s11 =	sshrl.u32 s9, $0x3;
	s9 =	sadd.s32 $0x10000, s4;
	s18 =	sshrl.u32 s4, $0x3  }
0x10: {  	v0 =	vimm.f32 $1.000000000e+00;
	v1 =	vimm.f32 $0.0e+00;
	s10 =	sadd.s32 s10, s11;
	s11 =	smax.u32 s12, $0x1;
	s12 =	simm.s32 $0x6800  }
.LBB2_1:
0x11: {  	s20 =	simm.s32 $0x0;
	s21 =	simm.s32 $0x200  }
.LBB2_2:
0x12: {  	p0 =	sne.s32 s21, $0x9E00;
	[tilespmem:s20+$0x4070] =	vst v0  }
0x13: {  	[tilespmem:s20+$0x4000] =	vst v0  }
0x14: {  	[tilespmem:s20+$0x4010] =	vst v0  }
.Ltmp0:
0x15: {  	[tilespmem:s20+$0x4020] =	vst v0;
	(pc) =	sbr.rel @p0 .LBB2_2-.Ltmp0, $4  }
0x16: {  	[tilespmem:s20+$0x4030] =	vst v0  }
0x17: {  	[tilespmem:s20+$0x4040] =	vst v0  }
0x18: {  	[tilespmem:s20+$0x4050] =	vst v0  }
0x19: {  	[tilespmem:s20+$0x4060] =	vst v0;
	s20 =	sshra.s32 s21, $0x2;
	s21 =	sadd.s32 $0x200, s21  }
0x1a: {  	[tilespmem:s20+$0x4070] =	vst v0  }
0x1b: {  	[tilespmem:s20+$0x4000] =	vst v0  }
0x1c: {  	[tilespmem:s20+$0x4010] =	vst v0  }
0x1d: {  	[tilespmem:s20+$0x4020] =	vst v0  }
0x1e: {  	[tilespmem:s20+$0x4030] =	vst v0  }
0x1f: {  	[tilespmem:s20+$0x4040] =	vst v0  }
0x20: {  	[tilespmem:s20+$0x4050] =	vst v0  }
0x21: {  	[tilespmem:s20+$0x4060] =	vst v0;
	s20 =	simm.s32 $0x0;
	s21 =	simm.s32 $0x200  }
.LBB2_4:
0x22: {  	p0 =	sne.s32 s21, $0xFE00;
	[tilespmem:s20+$0x6870] =	vst v1  }
0x23: {  	[tilespmem:s20+$0x6800] =	vst v1  }
0x24: {  	[tilespmem:s20+$0x6810] =	vst v1  }
.Ltmp1:
0x25: {  	[tilespmem:s20+$0x6820] =	vst v1;
	(pc) =	sbr.rel @p0 .LBB2_4-.Ltmp1, $4  }
0x26: {  	[tilespmem:s20+$0x6830] =	vst v1  }
0x27: {  	[tilespmem:s20+$0x6840] =	vst v1  }
0x28: {  	[tilespmem:s20+$0x6850] =	vst v1  }
0x29: {  	[tilespmem:s20+$0x6860] =	vst v1;
	s20 =	sshra.s32 s21, $0x2;
	s21 =	sadd.s32 $0x200, s21  }
0x2a: {  	[tilespmem:s20+$0x6870] =	vst v1  }
0x2b: {  	[tilespmem:s20+$0x6800] =	vst v1  }
0x2c: {  	[tilespmem:s20+$0x6810] =	vst v1  }
0x2d: {  	[tilespmem:s20+$0x6820] =	vst v1  }
0x2e: {  	[tilespmem:s20+$0x6830] =	vst v1  }
0x2f: {  	[tilespmem:s20+$0x6840] =	vst v1  }
0x30: {  	[tilespmem:s20+$0x6850] =	vst v1  }
0x31: {  	[tilespmem:s20+$0x6860] =	vst v1;
	s25 =	simm.s32 $0x0  }
0x32: {  	[tilespmem:s25], [sflag:$0x1] =	stream.linear.gather [hbm4b:s5+s25], $0x3E80, $0x38;
	[tilespmem:$0x1E800] =	vst v63  }
0x33: {  	_ = 	snop  }
0x34: {  	[spmem:s4] =	stream.linear.scatter [tilespmem:s12], [sflag:$0x2], $0x4000, $0x38;
	[tilespmem:$0x1E800] =	vst v63  }
0x35: {  	_ = 	snop  }
0x36: {  	[spmem:s6] =	stream.linear.scatter [tilespmem:s12], [sflag:$0x2], $0x4000, $0x38;
	[tilespmem:$0x1E800] =	vst v63  }
0x37: {  	_ = 	snop  }
0x38: {  	[spmem:s7] =	stream.linear.scatter [tilespmem:s12], [sflag:$0x2], $0x4000, $0x38;
	[tilespmem:$0x1E800] =	vst v63  }
0x39: {  	_ = 	snop  }
0x3a: {  	[spmem:s8] =	stream.linear.scatter [tilespmem:s12], [sflag:$0x2], $0x4000, $0x38;
	[tilespmem:$0x1E800] =	vst v63  }
0x3b: {  	_ = 	snop  }
0x3c: {  	[spmem:s9] =	stream.linear.scatter [tilespmem:s12], [sflag:$0x2], $0x4000, $0x38;
	[tilespmem:$0x1E800] =	vst v63  }
0x3d: {  	_ =	swait.ge [sflag:s13], $0x3E80  }
0x3e: {  	[sflag:s13] =	ssyncset.done $0x0  }
0x3f: {  	[sflag:s13] =	ssyncadd.s32 $0xFFFFC180  }
0x40: {  	_ =	swait.ge [sflag:s14], $0x4000  }
0x41: {  	[sflag:s14] =	ssyncset.done $0x0  }
0x42: {  	[sflag:s14] =	ssyncadd.s32 $0xFFFFC000  }
0x43: {  	_ =	swait.ge [sflag:s14], $0x4000  }
0x44: {  	[sflag:s14] =	ssyncset.done $0x0  }
0x45: {  	[sflag:s14] =	ssyncadd.s32 $0xFFFFC000  }
0x46: {  	_ =	swait.ge [sflag:s14], $0x4000  }
0x47: {  	[sflag:s14] =	ssyncset.done $0x0  }
0x48: {  	[sflag:s14] =	ssyncadd.s32 $0xFFFFC000  }
0x49: {  	_ =	swait.ge [sflag:s14], $0x4000  }
0x4a: {  	[sflag:s14] =	ssyncset.done $0x0  }
0x4b: {  	[sflag:s14] =	ssyncadd.s32 $0xFFFFC000  }
0x4c: {  	_ =	swait.ge [sflag:s14], $0x4000  }
0x4d: {  	[sflag:s14] =	ssyncset.done $0x0  }
0x4e: {  	[sflag:s14] =	ssyncadd.s32 $0xFFFFC000  }
0x4f: {  	s26 =	simm.s32 $0x0;
	[bflag:$0x0] =	sbarrier.arrive $0xFFFF  }
0x50: {  	[spmem:s1] =	stream.indirect.scatter.add.f32 [tilespmem:s16], [sflag:$0x2], $0x80, s26, s15, $0xb8;
	[tilespmem:$0x1E800] =	vst v63  }
0x51: {  	s28 =	simm.s32 $0x80  }
0x52: {  	[spmem:s1] =	stream.indirect.scatter.add.f32 [tilespmem:s16], [sflag:$0x2], $0x80, s28, s15, $0xb8;
	[tilespmem:$0x1E800] =	vst v63  }
0x53: {  	s29 =	simm.s32 $0x100  }
0x54: {  	[spmem:s1] =	stream.indirect.scatter.add.f32 [tilespmem:s16], [sflag:$0x2], $0x80, s29, s15, $0xb8;
	[tilespmem:$0x1E800] =	vst v63  }
0x55: {  	s30 =	simm.s32 $0x180  }
0x56: {  	[spmem:s1] =	stream.indirect.scatter.add.f32 [tilespmem:s16], [sflag:$0x2], $0x80, s30, s15, $0xb8;
	[tilespmem:$0x1E800] =	vst v63  }
0x57: {  	s31 =	simm.s32 $0x200  }
0x58: {  	[spmem:s1] =	stream.indirect.scatter.add.f32 [tilespmem:s16], [sflag:$0x2], $0x80, s31, s15, $0xb8;
	[tilespmem:$0x1E800] =	vst v63  }
0x59: {  	_ =	swait.ge [sflag:s14], $0x2800  }
0x5a: {  	[sflag:s14] =	ssyncset.done $0x0  }
0x5b: {  	[sflag:s14] =	ssyncadd.s32 $0xFFFFD800  }
0x5c: {  	_ =	swait.ge [sflag:s14], $0x2800  }
0x5d: {  	[sflag:s14] =	ssyncset.done $0x0  }
0x5e: {  	[sflag:s14] =	ssyncadd.s32 $0xFFFFD800  }
0x5f: {  	_ =	swait.ge [sflag:s14], $0x2800  }
0x60: {  	[sflag:s14] =	ssyncset.done $0x0  }
0x61: {  	[sflag:s14] =	ssyncadd.s32 $0xFFFFD800  }
0x62: {  	_ =	swait.ge [sflag:s14], $0x2800  }
0x63: {  	[sflag:s14] =	ssyncset.done $0x0  }
0x64: {  	[sflag:s14] =	ssyncadd.s32 $0xFFFFD800  }
0x65: {  	_ =	swait.ge [sflag:s14], $0x2800  }
0x66: {  	s20 =	simm.s32 $0xA00;
	s21 =	simm.s32 $0x1400;
	[sflag:s14] =	ssyncset.done $0x0  }
.LBB2_6:
0x67: {  	s22 =	sshra.s32 s20, $0x2  }
0x68: {  	[sflag:s14] =	ssyncadd.s32 $0xFFFFD800;
	s20 =	smov.u32 s21;
	s23 =	sadd.s32 $0xA00, s21  }
0x69: {  	[spmem:s1] =	stream.indirect.scatter.add.f32 [tilespmem:s16], [sflag:$0x2], $0x80, s22, s15, $0xb8;
	[tilespmem:$0x1E800] =	vst v63  }
0x6a: {  	p0 =	sne.s32 s21, $0xF000;
	s21 =	sadd.s32 $0x80, s22  }
0x6b: {  	[spmem:s1] =	stream.indirect.scatter.add.f32 [tilespmem:s16], [sflag:$0x2], $0x80, s21, s15, $0xb8;
	[tilespmem:$0x1E800] =	vst v63  }
0x6c: {  	s21 =	sadd.s32 $0x100, s22  }
0x6d: {  	[spmem:s1] =	stream.indirect.scatter.add.f32 [tilespmem:s16], [sflag:$0x2], $0x80, s21, s15, $0xb8;
	[tilespmem:$0x1E800] =	vst v63  }
0x6e: {  	s21 =	sadd.s32 $0x180, s22  }
0x6f: {  	[spmem:s1] =	stream.indirect.scatter.add.f32 [tilespmem:s16], [sflag:$0x2], $0x80, s21, s15, $0xb8;
	[tilespmem:$0x1E800] =	vst v63  }
0x70: {  	s21 =	sadd.s32 $0x200, s22  }
0x71: {  	[spmem:s1] =	stream.indirect.scatter.add.f32 [tilespmem:s16], [sflag:$0x2], $0x80, s21, s15, $0xb8;
	[tilespmem:$0x1E800] =	vst v63  }
0x72: {  	_ =	swait.ge [sflag:s14], $0x2800  }
0x73: {  	[sflag:s14] =	ssyncset.done $0x0  }
0x74: {  	[sflag:s14] =	ssyncadd.s32 $0xFFFFD800  }
0x75: {  	_ =	swait.ge [sflag:s14], $0x2800  }
0x76: {  	[sflag:s14] =	ssyncset.done $0x0  }
0x77: {  	[sflag:s14] =	ssyncadd.s32 $0xFFFFD800  }
0x78: {  	_ =	swait.ge [sflag:s14], $0x2800  }
0x79: {  	[sflag:s14] =	ssyncset.done $0x0  }
0x7a: {  	[sflag:s14] =	ssyncadd.s32 $0xFFFFD800  }
.Ltmp2:
0x7b: {  	_ =	swait.ge [sflag:s14], $0x2800;
	(pc) =	sbr.rel @p0 .LBB2_6-.Ltmp2, $4  }
0x7c: {  	[sflag:s14] =	ssyncset.done $0x0  }
0x7d: {  	[sflag:s14] =	ssyncadd.s32 $0xFFFFD800  }
0x7e: {  	_ =	swait.ge [sflag:s14], $0x2800  }
0x7f: {  	s21 =	smov.u32 s23;
	[sflag:s14] =	ssyncset.done $0x0  }
0x80: {  	s20 =	sshra.s32 s20, $0x2;
	[sflag:s14] =	ssyncadd.s32 $0xFFFFD800  }
0x81: {  	[spmem:s1] =	stream.indirect.scatter.add.f32 [tilespmem:s16], [sflag:$0x2], $0x80, s20, s15, $0xb8;
	[tilespmem:$0x1E800] =	vst v63  }
0x82: {  	s21 =	sadd.s32 $0x80, s20  }
0x83: {  	[spmem:s1] =	stream.indirect.scatter.add.f32 [tilespmem:s16], [sflag:$0x2], $0x80, s21, s15, $0xb8;
	[tilespmem:$0x1E800] =	vst v63  }
0x84: {  	s30 =	sadd.s32 $0x100, s20  }
0x85: {  	[spmem:s1] =	stream.indirect.scatter.add.f32 [tilespmem:s16], [sflag:$0x2], $0x80, s30, s15, $0xb8;
	[tilespmem:$0x1E800] =	vst v63  }
0x86: {  	s31 =	sadd.s32 $0x180, s20  }
0x87: {  	[spmem:s1] =	stream.indirect.scatter.add.f32 [tilespmem:s16], [sflag:$0x2], $0x80, s31, s15, $0xb8;
	[tilespmem:$0x1E800] =	vst v63  }
0x88: {  	s20 =	sadd.s32 $0x200, s20  }
0x89: {  	[spmem:s1] =	stream.indirect.scatter.add.f32 [tilespmem:s16], [sflag:$0x2], $0x80, s20, s15, $0xb8;
	[tilespmem:$0x1E800] =	vst v63  }
0x8a: {  	_ =	swait.ge [sflag:s14], $0x2800  }
0x8b: {  	[sflag:s14] =	ssyncset.done $0x0  }
0x8c: {  	[sflag:s14] =	ssyncadd.s32 $0xFFFFD800  }
0x8d: {  	_ =	swait.ge [sflag:s14], $0x2800  }
0x8e: {  	[sflag:s14] =	ssyncset.done $0x0  }
0x8f: {  	[sflag:s14] =	ssyncadd.s32 $0xFFFFD800  }
0x90: {  	_ =	swait.ge [sflag:s14], $0x2800  }
0x91: {  	[sflag:s14] =	ssyncset.done $0x0  }
0x92: {  	[sflag:s14] =	ssyncadd.s32 $0xFFFFD800  }
0x93: {  	_ =	swait.ge [sflag:s14], $0x2800  }
0x94: {  	[sflag:s14] =	ssyncset.done $0x0  }
0x95: {  	[sflag:s14] =	ssyncadd.s32 $0xFFFFD800  }
0x96: {  	_ =	swait.ge [sflag:s14], $0x2800  }
0x97: {  	s3 =	sadd.s32 $0x1, s3;
	[sflag:s14] =	ssyncset.done $0x0  }
0x98: {  	p0 =	sne.s32 s3, s11;
	[sflag:s14] =	ssyncadd.s32 $0xFFFFD800  }
.Ltmp3:
0x99: {  	[bflag:$0x0] =	sbarrier.arrive $0xFFFF;
	(pc) =	sbr.rel @p0 .LBB2_1-.Ltmp3, $4  }
0x9a: {  	[hbm:s10], [sflag:s17] =	dma.local [spmem:s18], $0x2800  }
0x9b: {  	_ =	swait.ge [sflag:s19], $0x2800  }
0x9c: {  	[sflag:s19] =	ssyncset.done $0x0  }
0x9d: {  	[sflag:s19] =	ssyncadd.s32 $0xFFFFD800  }
0x9e: {  	_ =	sfence.sel $0x180000  }
0x9f: {  	[bflag:$0x0] =	sbarrier.arrive $0xFFFF  }
0xa0: {  	p0 =	sne.s32 s2, $0x0;
	_ =	strace $0x90000047  }
0xa1: {  	s0 =	sadd.s32 @!p0 $0x100000, s0;
	[bflag:$0x2] =	sbarrier.arrive $0xFFFF  }
0xa2: {  	[sflag:s0] =	ssyncadd.tile.s32 @!p0 $0x1;
	_ =	shalt  }
.Lfunc_end2:
_tile_overlayer_lowered:
.L_overlay_start_2:
0xa3: {  	(tag) =	ssettag $0x2  }
0xa4: {  	s0 =	rddreg [dreg:$0x0];
	s2 =	stileid.u32  }
0xa5: {  	s1 =	rddreg [dreg:$0x1];
	p0 =	sne.s32 s2, $0x0  }
0xa6: {  	s3 =	rddreg [dreg:$0x2];
	[bflag:$0x3] =	sbarrier.arrive $0xFFFF;
	s2 =	simm.s32 @!p0 $0x1C03  }
0xa7: {  	[timem:s3], [sflag:s2] =	dma.local @!p0 [hbm:s0], s1  }
0xa8: {  	s0 =	simm.s32 @!p0 $0x3  }
0xa9: {  	_ =	swait.ge @!p0 [sflag:s0], s1  }
0xaa: {  	s1 =	ssub.s32 @!p0 $0x0, s1;
	[sflag:s0] =	ssyncset.done @!p0 $0x0  }
0xab: {  	[sflag:s0] =	ssyncadd.s32 @!p0 s1  }
0xac: {  	[bflag:$0x3] =	sbarrier.arrive $0xFFFF  }
0xad: {  	_ =	shalt  }

</sc_bundles>
